<compile_context>
chip_gen: v7x
topology: tpu7x:2x2x1
jax: 0.10.2.dev20260603
libtpu: 0.0.44.dev20260713+nightly
codegen_flags: <defaults>
</compile_context>

<pallas_src>
import functools

import jax
import jax.numpy as jnp
from jax import lax
from jax.experimental import pallas as pl
from jax.experimental.pallas import tpu as pltpu
from jax.experimental.pallas import tpu_sc as plsc

_N = 10000
_NP = 10240
_D = 128
_E = 320000
_NW = 32
_CH = 128
_NCH = 80
_TCH = _NW * _NCH
_EP = _TCH * _CH
_RPT = _NP // 16
_RB = 1024


def _sc_mesh():
    return plsc.VectorSubcoreMesh(core_axis_name="c", subcore_axis_name="s")



def _deg_body(pk_hbm, out_hbm, idx_v, hist_v):
    c = lax.axis_index("c")
    s = lax.axis_index("s")
    w = c * 16 + s
    zero16 = jnp.zeros((16,), jnp.float32)
    ones16 = jnp.ones((16,), jnp.float32)

    def zbody(i, carry):
        hist_v[pl.ds(pl.multiple_of(i * 16, 16), 16)] = zero16
        return carry

    lax.fori_loop(0, _NP // 16, zbody, 0)

    pltpu.sync_copy(pk_hbm.at[pl.ds(w * _NCH, _NCH)], idx_v)

    def body(j, carry):
        for k in range(8):
            idx = lax.shift_right_logical(idx_v[j, pl.ds(k * 16, 16)], 14)
            plsc.addupdate_scatter(hist_v, [idx], ones16)
        return carry

    lax.fori_loop(0, _NCH, body, 0)
    pltpu.sync_copy(hist_v, out_hbm.at[w])


@jax.jit
def _degrees(edge_pk):
    return pl.kernel(
        _deg_body,
        out_type=jax.ShapeDtypeStruct((_NW, _NP), jnp.float32),
        mesh=_sc_mesh(),
        scratch_types=[
            pltpu.VMEM((_NCH, _CH), jnp.int32),
            pltpu.VMEM((_NP,), jnp.float32),
        ],
        compiler_params=pltpu.CompilerParams(needs_layout_passes=False),
    )(edge_pk)



def _agg_body(hs_hbm, pk_hbm, out_hbm, acc, rows0, rows1, pkv,
              srcb0, srcb1, dstb0, dstb1, gsem0, gsem1):
    c = lax.axis_index("c")
    s = lax.axis_index("s")
    w = c * 16 + s

    zero16 = jnp.zeros((16,), jnp.float32)

    def zrow(r, carry):
        for k in range(8):
            rows0[r, pl.ds(k * 16, 16)] = zero16
        return carry

    lax.fori_loop(0, _CH, zrow, 0)
    rbase = pl.multiple_of(s * _RPT, 8)

    def zbody(i, carry):
        pltpu.sync_copy(
            rows0, acc.at[pl.ds(pl.multiple_of(s * _RPT + i * _CH, 8), _CH)])
        return carry

    lax.fori_loop(0, _RPT // _CH, zbody, 0)

    pltpu.sync_copy(pk_hbm.at[pl.ds(w * _NCH, _NCH)], pkv)

    def unpack(j, srcb, dstb):
        for k in range(8):
            v = pkv[j, pl.ds(k * 16, 16)]
            srcb[pl.ds(k * 16, 16)] = lax.bitwise_and(v, 0x3FFF)
            dstb[pl.ds(k * 16, 16)] = lax.shift_right_logical(v, 14)

    plsc.subcore_barrier()

    unpack(0, srcb0, dstb0)
    pltpu.async_copy(hs_hbm.at[srcb0], rows0, gsem0)

    def body(j2, carry):
        j = j2 * 2
        unpack(j + 1, srcb1, dstb1)
        pltpu.async_copy(hs_hbm.at[srcb1], rows1, gsem1)
        pltpu.make_async_copy(hs_hbm.at[srcb0], rows0, gsem0).wait()
        pltpu.sync_copy(rows0, acc.at[dstb0], add=True)
        unpack(j + 2, srcb0, dstb0)
        pltpu.async_copy(hs_hbm.at[srcb0], rows0, gsem0)
        pltpu.make_async_copy(hs_hbm.at[srcb1], rows1, gsem1).wait()
        pltpu.sync_copy(rows1, acc.at[dstb1], add=True)
        return carry

    lax.fori_loop(0, (_NCH - 2) // 2, body, 0)
    pltpu.make_async_copy(hs_hbm.at[srcb0], rows0, gsem0).wait()
    pltpu.sync_copy(rows0, acc.at[dstb0], add=True)
    unpack(_NCH - 1, srcb1, dstb1)
    pltpu.async_copy(hs_hbm.at[srcb1], rows1, gsem1)
    pltpu.make_async_copy(hs_hbm.at[srcb1], rows1, gsem1).wait()
    pltpu.sync_copy(rows1, acc.at[dstb1], add=True)

    plsc.subcore_barrier()
    pltpu.sync_copy(acc.at[pl.ds(rbase, _RPT)],
                    out_hbm.at[c, pl.ds(rbase, _RPT)])


@jax.jit
def _aggregate(hs_pad, edge_pk):
    return pl.kernel(
        _agg_body,
        out_type=jax.ShapeDtypeStruct((2, _NP, _D), jnp.float32),
        mesh=_sc_mesh(),
        scratch_types=[
            pltpu.VMEM_SHARED((_NP, _D), jnp.float32),
            pltpu.VMEM((_CH, _D), jnp.float32),
            pltpu.VMEM((_CH, _D), jnp.float32),
            pltpu.VMEM((_NCH, _CH), jnp.int32),
            pltpu.VMEM((_CH,), jnp.int32),
            pltpu.VMEM((_CH,), jnp.int32),
            pltpu.VMEM((_CH,), jnp.int32),
            pltpu.VMEM((_CH,), jnp.int32),
            pltpu.SemaphoreType.DMA,
            pltpu.SemaphoreType.DMA,
        ],
        compiler_params=pltpu.CompilerParams(needs_layout_passes=False),
    )(hs_pad, edge_pk)



def _hs_body(degp_ref, x_ref, w_ref, b_ref, hs_ref, dis_ref):
    deg = jnp.sum(degp_ref[...], axis=0, keepdims=True) + 1.0
    dis = lax.rsqrt(deg).T
    h = jnp.maximum(
        jnp.dot(x_ref[...], w_ref[...], preferred_element_type=jnp.float32)
        + b_ref[...], 0.0)
    hs_ref[...] = h * dis
    dis_ref[...] = dis


@jax.jit
def _hidden_scaled(deg_parts, x_pad, fc_Wt, fc_b2):
    return pl.pallas_call(
        _hs_body,
        grid=(_NP // _RB,),
        in_specs=[
            pl.BlockSpec((_NW, _RB), lambda i: (0, i)),
            pl.BlockSpec((_RB, _D), lambda i: (i, 0)),
            pl.BlockSpec((_D, _D), lambda i: (0, 0)),
            pl.BlockSpec((1, _D), lambda i: (0, 0)),
        ],
        out_specs=[
            pl.BlockSpec((_RB, _D), lambda i: (i, 0)),
            pl.BlockSpec((_RB, 1), lambda i: (i, 0)),
        ],
        out_shape=[
            jax.ShapeDtypeStruct((_NP, _D), jnp.float32),
            jax.ShapeDtypeStruct((_NP, 1), jnp.float32),
        ],
    )(deg_parts, x_pad, fc_Wt, fc_b2)



def _proj_body(dis_ref, sp_ref, hs_ref, wmu_ref, wls_ref, bmu_ref, bls_ref,
               mu_ref, ls_ref):
    ssum = sp_ref[0] + sp_ref[1]
    agg = dis_ref[...] * (ssum + hs_ref[...])
    mu_ref[...] = jnp.dot(agg, wmu_ref[...],
                          preferred_element_type=jnp.float32) + bmu_ref[...]
    ls_ref[...] = jnp.dot(agg, wls_ref[...],
                          preferred_element_type=jnp.float32) + bls_ref[...]


@jax.jit
def _project(dis, s_parts, hs, wmu_t, wls_t, bmu, bls):
    rb = 1000
    return pl.pallas_call(
        _proj_body,
        grid=(_N // rb,),
        in_specs=[
            pl.BlockSpec((rb, 1), lambda i: (i, 0)),
            pl.BlockSpec((2, rb, _D), lambda i: (0, i, 0)),
            pl.BlockSpec((rb, _D), lambda i: (i, 0)),
            pl.BlockSpec((_D, 228), lambda i: (0, 0)),
            pl.BlockSpec((_D, 228), lambda i: (0, 0)),
            pl.BlockSpec((1, 228), lambda i: (0, 0)),
            pl.BlockSpec((1, 228), lambda i: (0, 0)),
        ],
        out_specs=[
            pl.BlockSpec((rb, 228), lambda i: (i, 0)),
            pl.BlockSpec((rb, 228), lambda i: (i, 0)),
        ],
        out_shape=[
            jax.ShapeDtypeStruct((_N, 228), jnp.float32),
            jax.ShapeDtypeStruct((_N, 228), jnp.float32),
        ],
    )(dis, s_parts, hs, wmu_t, wls_t, bmu, bls)



def kernel(x, edge_index, fc_W, fc_b, conv_mu_W, conv_mu_b, conv_logstd_W,
           conv_logstd_b, addon_mu_W, addon_mu_b, addon_logstd_W,
           addon_logstd_b):
    edge_pad = jnp.pad(edge_index.astype(jnp.int32), ((0, 0), (0, _EP - _E)),
                       constant_values=_NP - 1)
    edge_pk = jnp.bitwise_or(
        edge_pad[0], jnp.left_shift(edge_pad[1], 14)).reshape(_TCH, _CH)
    x_pad = jnp.pad(x, ((0, _NP - _N), (0, 0)))

    deg_parts = _degrees(edge_pk)
    hs, dis = _hidden_scaled(deg_parts, x_pad, fc_W.T, fc_b[None, :])
    s_parts = _aggregate(hs, edge_pk)

    wmu_t = jnp.concatenate([conv_mu_W, addon_mu_W], 0).T
    wls_t = jnp.concatenate([conv_logstd_W, addon_logstd_W], 0).T
    bmu = jnp.concatenate([conv_mu_b, addon_mu_b])[None, :]
    bls = jnp.concatenate([conv_logstd_b, addon_logstd_b])[None, :]

    return _project(dis, s_parts, hs, wmu_t, wls_t, bmu, bls)

# --- scband reference (transcript-rebuilt; emitter-appended) ---
"""Pipeline reference for scband-encoder-26663156974095 (READ-ONLY COPY).

The authoritative reference and input builder live on the scoring server;
editing this copy changes nothing except your own understanding.
"""

import jax, jax.numpy as jnp
import numpy as np

N_NODES = 10000
N_EDGES = 320000
N_INPUT = 128
N_HIDDEN = 128
N_LATENT = 128
N_ADDON = 100


def setup_inputs(seed: int = 0) -> dict:
    key = jax.random.key(seed)
    ks = jax.random.split(key, 12)
    s = 0.05
    inp = {}
    inp["x"] = jax.random.normal(ks[0], (N_NODES, N_INPUT), dtype=jnp.float32)
    inp["edge_index"] = jax.random.randint(ks[1], (2, N_EDGES), 0, N_NODES)
    inp["fc_W"] = jax.random.normal(ks[2], (N_HIDDEN, N_INPUT), dtype=jnp.float32) * s
    inp["fc_b"] = jnp.zeros((N_HIDDEN,), dtype=jnp.float32)
    inp["conv_mu_W"] = jax.random.normal(ks[3], (N_LATENT, N_HIDDEN), dtype=jnp.float32) * s
    inp["conv_mu_b"] = jnp.zeros((N_LATENT,), dtype=jnp.float32)
    inp["conv_logstd_W"] = jax.random.normal(ks[4], (N_LATENT, N_HIDDEN), dtype=jnp.float32) * s
    inp["conv_logstd_b"] = jnp.zeros((N_LATENT,), dtype=jnp.float32)
    inp["addon_mu_W"] = jax.random.normal(ks[5], (N_ADDON, N_HIDDEN), dtype=jnp.float32) * s
    inp["addon_mu_b"] = jnp.zeros((N_ADDON,), dtype=jnp.float32)
    inp["addon_logstd_W"] = jax.random.normal(ks[6], (N_ADDON, N_HIDDEN), dtype=jnp.float32) * s
    inp["addon_logstd_b"] = jnp.zeros((N_ADDON,), dtype=jnp.float32)
    return inp


def _gcn_conv(x, W, b, src, dst, n):
    # PyG GCNConv semantics: lin first, add self-loops, symmetric deg norm, scatter-add to dst, bias
    h = x @ W.T
    loop = jnp.arange(n, dtype=src.dtype)
    src2 = jnp.concatenate([src, loop])
    dst2 = jnp.concatenate([dst, loop])
    deg = jax.ops.segment_sum(jnp.ones(src2.shape[0], dtype=h.dtype), dst2, num_segments=n)
    deg_inv_sqrt = jnp.where(deg > 0, 1.0 / jnp.sqrt(deg), 0.0)
    norm = deg_inv_sqrt[src2] * deg_inv_sqrt[dst2]
    msg = h[src2] * norm[:, None]
    out = jax.ops.segment_sum(msg, dst2, num_segments=n)
    return out + b


def reference(x, edge_index, fc_W, fc_b, conv_mu_W, conv_mu_b, conv_logstd_W, conv_logstd_b, addon_mu_W, addon_mu_b, addon_logstd_W, addon_logstd_b):
    src = edge_index[0]
    dst = edge_index[1]
    n = x.shape[0]
    # n_fc_layers == 1, dropout_rate == 0.0, activation == ReLU
    hidden = jax.nn.relu(x @ fc_W.T + fc_b)
    mu = _gcn_conv(hidden, conv_mu_W, conv_mu_b, src, dst, n)
    logstd = _gcn_conv(hidden, conv_logstd_W, conv_logstd_b, src, dst, n)
    mu = jnp.concatenate([mu, _gcn_conv(hidden, addon_mu_W, addon_mu_b, src, dst, n)], axis=1)
    logstd = jnp.concatenate([logstd, _gcn_conv(hidden, addon_logstd_W, addon_logstd_b, src, dst, n)], axis=1)
    return (mu, logstd)

if __name__ == "__main__":
    import jax
    _d = setup_inputs()
    print(jax.jit(kernel)(*tuple(_d.values())))

</pallas_src>

<mosaic_0001>
#map = affine_map<(d0, d1) -> (0, 0)>
module attributes {stable_mosaic.version = 14 : i64} {
  func.func @_deg_body(%arg0: i32, %arg1: i32, %arg2: memref<2560x128xi32, #tpu.memory_space<hbm>>, %arg3: memref<32x10240xf32, #tpu.memory_space<hbm>>, %arg4: memref<80x128xi32, #tpu.memory_space<vmem>>, %arg5: memref<10240xf32, #tpu.memory_space<vmem>>) attributes {dimension_semantics = [#tpu.dimension_semantics<core_parallel>, #tpu.dimension_semantics<subcore_parallel>], iteration_bounds = array<i64: 2, 16>, scalar_prefetch = 0 : i64, scratch_operands = 2 : i64, tpu.core_type = #tpu.core_type<sc_vector_subcore>, window_params = [{transform_indices = #map}, {transform_indices = #map}]} {
    %mul3A = arith.constant 16 : i32
    %mul3A_0 = arith.muli %arg0, %mul3A : i32
    %add3A = arith.addi %mul3A_0, %arg1 : i32
    %broadcast_in_dim3A = arith.constant 0.000000e+00 : f32
    %broadcast_in_dim3A_1 = vector.broadcast %broadcast_in_dim3A : f32 to vector<16xf32>
    %broadcast_in_dim3A_2 = arith.constant 1.000000e+00 : f32
    %broadcast_in_dim3A_3 = vector.broadcast %broadcast_in_dim3A_2 : f32 to vector<16xf32>
    %scan3A = arith.constant 0 : i32
    %scan3A_4 = arith.constant 0 : i32
    %scan3A_5 = arith.constant 640 : i32
    %scan3A_6 = arith.addi %scan3A_4, %scan3A_5 : i32
    %scan3A_7 = arith.constant 1 : i32
    scf.for %scan3A_17 = %scan3A_4 to %scan3A_6 step %scan3A_7  : i32 {
      %mul3A_18 = arith.constant 16 : i32
      %mul3A_19 = arith.muli %scan3A_17, %mul3A_18 : i32
      %multiple_of3A = tpu.assume_multiple %mul3A_19, 16 : i32
      %swap3A = arith.index_cast %multiple_of3A : i32 to index
      %swap3A_20 = tpu.vector_load %arg5[%swap3A] {strides = array<i32>} : memref<10240xf32, #tpu.memory_space<vmem>>, vector<16xf32>,
      tpu.vector_store %arg5[%swap3A], %broadcast_in_dim3A_1 {strides = array<i32>} : memref<10240xf32, #tpu.memory_space<vmem>>, vector<16xf32>,
    }
    %scan3A_8 = arith.constant 640 : i32
    %mul3A_9 = arith.constant 80 : i32
    %mul3A_10 = arith.muli %add3A, %mul3A_9 : i32
    "tpu.region"() ({
      %run_scoped3A = tpu.sem_alloc : memref<!tpu.dma_semaphore, #tpu.memory_space<semaphore_mem>>
      %dma_start3A = arith.constant 0 : i32
      %dma_start3A_17 = tpu.memref_slice %arg2[%mul3A_10, %dma_start3A] : memref<2560x128xi32, #tpu.memory_space<hbm>> -> memref<80x128xi32, #tpu.memory_space<hbm>>
      %dma_start3A_18 = arith.constant 0 : i32
      %dma_start3A_19 = tpu.memref_slice %arg2[%mul3A_10, %dma_start3A_18] : memref<2560x128xi32, #tpu.memory_space<hbm>> -> memref<80x128xi32, #tpu.memory_space<hbm>>
      tpu.enqueue_dma source(%dma_start3A_19 : memref<80x128xi32, #tpu.memory_space<hbm>>) target(%arg4 : memref<80x128xi32, #tpu.memory_space<vmem>>) target_semaphore(%run_scoped3A : memref<!tpu.dma_semaphore, #tpu.memory_space<semaphore_mem>>)
      %dma_wait3A = arith.constant 0 : i32
      %dma_wait3A_20 = tpu.memref_slice %arg2[%mul3A_10, %dma_wait3A] : memref<2560x128xi32, #tpu.memory_space<hbm>> -> memref<80x128xi32, #tpu.memory_space<hbm>>
      %dma_wait3A_21 = arith.constant 0 : i32
      %dma_wait3A_22 = tpu.memref_slice %arg2[%mul3A_10, %dma_wait3A_21] : memref<2560x128xi32, #tpu.memory_space<hbm>> -> memref<80x128xi32, #tpu.memory_space<hbm>>
      tpu.wait_dma2 semaphore(%run_scoped3A : memref<!tpu.dma_semaphore, #tpu.memory_space<semaphore_mem>>) src(%dma_wait3A_22 : memref<80x128xi32, #tpu.memory_space<hbm>>) dst(%arg4 : memref<80x128xi32, #tpu.memory_space<vmem>>)
      tpu.yield
    }) : () -> ()
    %scan3A_11 = arith.constant 0 : i32
    %scan3A_12 = arith.constant 0 : i32
    %scan3A_13 = arith.constant 80 : i32
    %scan3A_14 = arith.addi %scan3A_12, %scan3A_13 : i32
    %scan3A_15 = arith.constant 1 : i32
    scf.for %scan3A_17 = %scan3A_12 to %scan3A_14 step %scan3A_15  : i32 {
      %get3A = arith.index_cast %scan3A_17 : i32 to index
      %get3A_18 = arith.constant 0 : index
      %get3A_19 = tpu.vector_load %arg4[%get3A, %get3A_18] {strides = array<i32>} : memref<80x128xi32, #tpu.memory_space<vmem>>, vector<16xi32>,
      %shift_right_logical3A = arith.constant 14 : i32
      %shift_right_logical3A_20 = vector.broadcast %shift_right_logical3A : i32 to vector<16xi32>
      %shift_right_logical3A_21 = arith.shrui %get3A_19, %shift_right_logical3A_20 : vector<16xi32>
      tpu.vector_store_idx %arg5[%shift_right_logical3A_21], %broadcast_in_dim3A_3 {add = true} : memref<10240xf32, #tpu.memory_space<vmem>>[vector<16xi32>], vector<16xf32>,
      %get3A_22 = arith.index_cast %scan3A_17 : i32 to index
      %get3A_23 = arith.constant 16 : index
      %get3A_24 = tpu.vector_load %arg4[%get3A_22, %get3A_23] {strides = array<i32>} : memref<80x128xi32, #tpu.memory_space<vmem>>, vector<16xi32>,
      %shift_right_logical3A_25 = arith.constant 14 : i32
      %shift_right_logical3A_26 = vector.broadcast %shift_right_logical3A_25 : i32 to vector<16xi32>
      %shift_right_logical3A_27 = arith.shrui %get3A_24, %shift_right_logical3A_26 : vector<16xi32>
      tpu.vector_store_idx %arg5[%shift_right_logical3A_27], %broadcast_in_dim3A_3 {add = true} : memref<10240xf32, #tpu.memory_space<vmem>>[vector<16xi32>], vector<16xf32>,
      %get3A_28 = arith.index_cast %scan3A_17 : i32 to index
      %get3A_29 = arith.constant 32 : index
      %get3A_30 = tpu.vector_load %arg4[%get3A_28, %get3A_29] {strides = array<i32>} : memref<80x128xi32, #tpu.memory_space<vmem>>, vector<16xi32>,
      %shift_right_logical3A_31 = arith.constant 14 : i32
      %shift_right_logical3A_32 = vector.broadcast %shift_right_logical3A_31 : i32 to vector<16xi32>
      %shift_right_logical3A_33 = arith.shrui %get3A_30, %shift_right_logical3A_32 : vector<16xi32>
      tpu.vector_store_idx %arg5[%shift_right_logical3A_33], %broadcast_in_dim3A_3 {add = true} : memref<10240xf32, #tpu.memory_space<vmem>>[vector<16xi32>], vector<16xf32>,
      %get3A_34 = arith.index_cast %scan3A_17 : i32 to index
      %get3A_35 = arith.constant 48 : index
      %get3A_36 = tpu.vector_load %arg4[%get3A_34, %get3A_35] {strides = array<i32>} : memref<80x128xi32, #tpu.memory_space<vmem>>, vector<16xi32>,
      %shift_right_logical3A_37 = arith.constant 14 : i32
      %shift_right_logical3A_38 = vector.broadcast %shift_right_logical3A_37 : i32 to vector<16xi32>
      %shift_right_logical3A_39 = arith.shrui %get3A_36, %shift_right_logical3A_38 : vector<16xi32>
      tpu.vector_store_idx %arg5[%shift_right_logical3A_39], %broadcast_in_dim3A_3 {add = true} : memref<10240xf32, #tpu.memory_space<vmem>>[vector<16xi32>], vector<16xf32>,
      %get3A_40 = arith.index_cast %scan3A_17 : i32 to index
      %get3A_41 = arith.constant 64 : index
      %get3A_42 = tpu.vector_load %arg4[%get3A_40, %get3A_41] {strides = array<i32>} : memref<80x128xi32, #tpu.memory_space<vmem>>, vector<16xi32>,
      %shift_right_logical3A_43 = arith.constant 14 : i32
      %shift_right_logical3A_44 = vector.broadcast %shift_right_logical3A_43 : i32 to vector<16xi32>
      %shift_right_logical3A_45 = arith.shrui %get3A_42, %shift_right_logical3A_44 : vector<16xi32>
      tpu.vector_store_idx %arg5[%shift_right_logical3A_45], %broadcast_in_dim3A_3 {add = true} : memref<10240xf32, #tpu.memory_space<vmem>>[vector<16xi32>], vector<16xf32>,
      %get3A_46 = arith.index_cast %scan3A_17 : i32 to index
      %get3A_47 = arith.constant 80 : index
      %get3A_48 = tpu.vector_load %arg4[%get3A_46, %get3A_47] {strides = array<i32>} : memref<80x128xi32, #tpu.memory_space<vmem>>, vector<16xi32>,
      %shift_right_logical3A_49 = arith.constant 14 : i32
      %shift_right_logical3A_50 = vector.broadcast %shift_right_logical3A_49 : i32 to vector<16xi32>
      %shift_right_logical3A_51 = arith.shrui %get3A_48, %shift_right_logical3A_50 : vector<16xi32>
      tpu.vector_store_idx %arg5[%shift_right_logical3A_51], %broadcast_in_dim3A_3 {add = true} : memref<10240xf32, #tpu.memory_space<vmem>>[vector<16xi32>], vector<16xf32>,
      %get3A_52 = arith.index_cast %scan3A_17 : i32 to index
      %get3A_53 = arith.constant 96 : index
      %get3A_54 = tpu.vector_load %arg4[%get3A_52, %get3A_53] {strides = array<i32>} : memref<80x128xi32, #tpu.memory_space<vmem>>, vector<16xi32>,
      %shift_right_logical3A_55 = arith.constant 14 : i32
      %shift_right_logical3A_56 = vector.broadcast %shift_right_logical3A_55 : i32 to vector<16xi32>
      %shift_right_logical3A_57 = arith.shrui %get3A_54, %shift_right_logical3A_56 : vector<16xi32>
      tpu.vector_store_idx %arg5[%shift_right_logical3A_57], %broadcast_in_dim3A_3 {add = true} : memref<10240xf32, #tpu.memory_space<vmem>>[vector<16xi32>], vector<16xf32>,
      %get3A_58 = arith.index_cast %scan3A_17 : i32 to index
      %get3A_59 = arith.constant 112 : index
      %get3A_60 = tpu.vector_load %arg4[%get3A_58, %get3A_59] {strides = array<i32>} : memref<80x128xi32, #tpu.memory_space<vmem>>, vector<16xi32>,
      %shift_right_logical3A_61 = arith.constant 14 : i32
      %shift_right_logical3A_62 = vector.broadcast %shift_right_logical3A_61 : i32 to vector<16xi32>
      %shift_right_logical3A_63 = arith.shrui %get3A_60, %shift_right_logical3A_62 : vector<16xi32>
      tpu.vector_store_idx %arg5[%shift_right_logical3A_63], %broadcast_in_dim3A_3 {add = true} : memref<10240xf32, #tpu.memory_space<vmem>>[vector<16xi32>], vector<16xf32>,
    }
    %scan3A_16 = arith.constant 80 : i32
    "tpu.region"() ({
      %run_scoped3A = tpu.sem_alloc : memref<!tpu.dma_semaphore, #tpu.memory_space<semaphore_mem>>
      %dma_start3A = arith.constant 0 : i32
      %dma_start3A_17 = tpu.memref_slice %arg3[%add3A, %dma_start3A] : memref<32x10240xf32, #tpu.memory_space<hbm>> -> memref<1x10240xf32, #tpu.memory_space<hbm>>
      %dma_start3A_18 = tpu.memref_squeeze %dma_start3A_17 : memref<1x10240xf32, #tpu.memory_space<hbm>> -> memref<10240xf32, #tpu.memory_space<hbm>>
      %dma_start3A_19 = arith.constant 0 : i32
      %dma_start3A_20 = tpu.memref_slice %arg3[%add3A, %dma_start3A_19] : memref<32x10240xf32, #tpu.memory_space<hbm>> -> memref<1x10240xf32, #tpu.memory_space<hbm>>
      %dma_start3A_21 = tpu.memref_squeeze %dma_start3A_20 : memref<1x10240xf32, #tpu.memory_space<hbm>> -> memref<10240xf32, #tpu.memory_space<hbm>>
      tpu.enqueue_dma source(%arg5 : memref<10240xf32, #tpu.memory_space<vmem>>) target(%dma_start3A_21 : memref<10240xf32, #tpu.memory_space<hbm>>) target_semaphore(%run_scoped3A : memref<!tpu.dma_semaphore, #tpu.memory_space<semaphore_mem>>)
      %dma_wait3A = arith.constant 0 : i32
      %dma_wait3A_22 = tpu.memref_slice %arg3[%add3A, %dma_wait3A] : memref<32x10240xf32, #tpu.memory_space<hbm>> -> memref<1x10240xf32, #tpu.memory_space<hbm>>
      %dma_wait3A_23 = tpu.memref_squeeze %dma_wait3A_22 : memref<1x10240xf32, #tpu.memory_space<hbm>> -> memref<10240xf32, #tpu.memory_space<hbm>>
      %dma_wait3A_24 = arith.constant 0 : i32
      %dma_wait3A_25 = tpu.memref_slice %arg3[%add3A, %dma_wait3A_24] : memref<32x10240xf32, #tpu.memory_space<hbm>> -> memref<1x10240xf32, #tpu.memory_space<hbm>>
      %dma_wait3A_26 = tpu.memref_squeeze %dma_wait3A_25 : memref<1x10240xf32, #tpu.memory_space<hbm>> -> memref<10240xf32, #tpu.memory_space<hbm>>
      tpu.wait_dma2 semaphore(%run_scoped3A : memref<!tpu.dma_semaphore, #tpu.memory_space<semaphore_mem>>) src(%arg5 : memref<10240xf32, #tpu.memory_space<vmem>>) dst(%dma_wait3A_26 : memref<10240xf32, #tpu.memory_space<hbm>>)
      tpu.yield
    }) : () -> ()
    return
  }
}

</mosaic_0001>

<sc_bundles>
// kernel: _degrees.3.cloned.1.call-start
scs
__scs_entry_jumppad:
0x0: {  	(pc) =	sbr.rel $0x88, $3  }
0x1: {  	(tag) =	ssettag $0x0;
	lr =	simm.s32 $0x1  }
0x2: {  	[smem:$0x3FA0] =	sst lr;
	_ =	strace $0xD0000000  }
0x3: {  	_ = 	snop  }
0x4: {  	_ = 	snop  }
0x5: {  	_ = 	snop  }
0x6: {  	_ = 	snop  }
0x7: {  	_ = 	snop  }
__scs_overlays_trampoline_lowered:
0x8: {  	[smem:$0x3FAF] =	sst s0  }
0x9: {  	[smem:$0x3FB0] =	sst s1  }
0xa: {  	[smem:$0x3FB1] =	sst s2  }
0xb: {  	[smem:$0x3FB2] =	sst s3  }
0xc: {  	[smem:$0x3FB3] =	sst s4  }
0xd: {  	[smem:$0x3FB4] =	sst s5  }
0xe: {  	[smem:$0x3FB5] =	sst s6  }
0xf: {  	[smem:$0x3FB6] =	sst s7  }
0x10: {  	[smem:$0x3FB7] =	sst s8  }
0x11: {  	[smem:$0x3FB8] =	sst s9;
	s0 =	simm.s32 @!p0 $0x0  }
0x12: {  	s1 =	sld [smem:$0x3F9E];
	s0 =	simm.s32 @p0 $0x1  }
0x13: {  	[smem:$0x3FB9] =	sst s0;
	s0 =	simm.s32 @!p1 $0x0  }
0x14: {  	s2 =	sld [smem:$0x3F9D];
	s0 =	simm.s32 @p1 $0x1  }
0x15: {  	[smem:$0x3FBA] =	sst s0;
	s0 =	simm.s32 @!p2 $0x0  }
0x16: {  	s3 =	sld [smem:$0x3FDB];
	s0 =	simm.s32 @p2 $0x1  }
0x17: {  	s4 =	simm.s32 $0x1BF5;
	[smem:$0x3FBC] =	sst s0  }
0x18: {  	s0 =	sld [smem:$0x3F9F];
	_ =	swait.ge [sflag:s4], $0x0  }
0x19: {  	s7 =	sld [smem:$0x3FA0]  }
0x1a: {  	s8 =	sadd.s32 $0xFFFFE003, lr  }
0x1b: {  	s9 =	sadd.s32 $0xFFFFFEF7, lr;
	s5 =	simm.s32 $0xFFFFFFFF;
	p2 =	slt.u32 s8, $0xFFFFF086  }
0x1c: {  	p1 =	slt.u32 s9, $0xF7A;
	s5 =	simm.s32 @!p2 $0x0  }
0x1d: {  	s5 =	simm.s32 @p1 $0x1;
	p0 =	seq.s32 s7, s2  }
0x1e: {  	s7 =	smul.u32 @!p0 $0xF7A, s2;
	p2 =	seq.s32 @!p0 s5, $0x0  }
0x1f: {  	s9 =	smul.u32 $0xF7A, s1;
	s8 =	simm.s32 @!p0 $0x1BF5;
	p2 =	por !p2, p0  }
0x20: {  	[sflag:s8] =	ssyncset.s32 @!p0 $0xFFFFF086;
	s6 =	sadd.s32 @!p0 s3, s7;
	s7 =	simm.s32 @!p0 $0x108  }
0x21: {  	s3 =	sadd.s32 s3, s9;
	s6 =	sadd.s32 @!p0 $0x88, s6;
	s7 =	simm.s32 @p2 $0x1082  }
0x22: {  	[simem:s7], [sflag:s8] =	dma.local @!p0 [hbm:s6], $0xF7A  }
0x23: {  	s9 =	sor.u32 $0xD0000000, s2;
	s6 =	simm.s32 $0x108;
	_ =	swait.ge @!p0 [sflag:s8], $0x0  }
0x24: {  	s3 =	sadd.s32 $0x88, s3;
	s6 =	simm.s32 @!p1 $0x1082;
	[sflag:s4] =	ssyncset.s32 $0xFFFFF086  }
0x25: {  	[simem:s6], [sflag:s4] =	dma.local [hbm:s3], $0xF7A  }
0x26: {  	[smem:$0x3FA0] =	sst s1;
	(tag) =	ssettag s2;
	_ =	strace s9  }
0x27: {  	s1 =	sld [smem:$0x3FB0]  }
0x28: {  	s2 =	sld [smem:$0x3FB1]  }
0x29: {  	s4 =	sld [smem:$0x3FB3]  }
0x2a: {  	p0 =	seq.s32 s5, $0x0;
	s5 =	sld [smem:$0x3FB4]  }
0x2b: {  	s6 =	sld [smem:$0x3FB5]  }
0x2c: {  	s7 =	sld [smem:$0x3FB6]  }
0x2d: {  	s3 =	simm.s32 $0x108;
	s8 =	sld [smem:$0x3FB7]  }
0x2e: {  	s3 =	simm.s32 @!p0 $0x1082;
	s9 =	sld [smem:$0x3FB8]  }
0x2f: {  	lr =	sadd.s32 s0, s3;
	s0 =	sld [smem:$0x3FAF]  }
0x30: {  	s3 =	sld [smem:$0x3FB2]  }
0x31: {  	[smem:$0x3FBB] =	sst s10  }
0x32: {  	s10 =	sld [smem:$0x3FB9];
	_ =	sdelay $0x3  }
0x33: {  	p0 =	seq.s32 s10, $0x1;
	s10 =	sld [smem:$0x3FBB];
	_ =	sdelay $0x3  }
0x34: {  	[smem:$0x3FBB] =	sst s10  }
0x35: {  	s10 =	sld [smem:$0x3FBA];
	_ =	sdelay $0x3  }
0x36: {  	p1 =	seq.s32 s10, $0x1;
	s10 =	sld [smem:$0x3FBB];
	_ =	sdelay $0x3  }
0x37: {  	[smem:$0x3FBB] =	sst s10  }
0x38: {  	s10 =	sld [smem:$0x3FBC]  }
0x39: {  	_ = 	snop;
	(pc) =	sbr.ind lr, $3  }
0x3a: {  	_ = 	snop  }
0x3b: {  	_ = 	snop  }
0x3c: {  	p2 =	seq.s32 s10, $0x1;
	s10 =	sld [smem:$0x3FBB]  }
0x3d: {  	_ =	shalt  }
0x3e: {  	_ =	shalt  }
0x3f: {  	_ =	shalt  }
0x40: {  	_ =	shalt  }
0x41: {  	_ =	shalt  }
0x42: {  	_ =	shalt  }
0x43: {  	_ =	shalt  }
0x44: {  	_ =	shalt  }
0x45: {  	_ =	shalt  }
0x46: {  	_ =	shalt  }
0x47: {  	_ =	shalt  }
0x48: {  	_ =	shalt  }
0x49: {  	_ =	shalt  }
0x4a: {  	_ =	shalt  }
0x4b: {  	_ =	shalt  }
0x4c: {  	_ =	shalt  }
0x4d: {  	_ =	shalt  }
0x4e: {  	_ =	shalt  }
0x4f: {  	_ =	shalt  }
0x50: {  	_ =	shalt  }
0x51: {  	_ =	shalt  }
0x52: {  	_ =	shalt  }
0x53: {  	_ =	shalt  }
0x54: {  	_ =	shalt  }
0x55: {  	_ =	shalt  }
0x56: {  	_ =	shalt  }
0x57: {  	_ =	shalt  }
0x58: {  	_ =	shalt  }
0x59: {  	_ =	shalt  }
0x5a: {  	_ =	shalt  }
0x5b: {  	_ =	shalt  }
0x5c: {  	_ =	shalt  }
0x5d: {  	_ =	shalt  }
0x5e: {  	_ =	shalt  }
0x5f: {  	_ =	shalt  }
0x60: {  	_ =	shalt  }
0x61: {  	_ =	shalt  }
0x62: {  	_ =	shalt  }
0x63: {  	_ =	shalt  }
0x64: {  	_ =	shalt  }
0x65: {  	_ =	shalt  }
0x66: {  	_ =	shalt  }
0x67: {  	_ =	shalt  }
0x68: {  	_ =	shalt  }
0x69: {  	_ =	shalt  }
0x6a: {  	_ =	shalt  }
0x6b: {  	_ =	shalt  }
0x6c: {  	_ =	shalt  }
0x6d: {  	_ =	shalt  }
0x6e: {  	_ =	shalt  }
0x6f: {  	_ =	shalt  }
0x70: {  	_ =	shalt  }
0x71: {  	_ =	shalt  }
0x72: {  	_ =	shalt  }
0x73: {  	_ =	shalt  }
0x74: {  	_ =	shalt  }
0x75: {  	_ =	shalt  }
0x76: {  	_ =	shalt  }
0x77: {  	_ =	shalt  }
0x78: {  	_ =	shalt  }
0x79: {  	_ =	shalt  }
0x7a: {  	_ =	shalt  }
0x7b: {  	_ =	shalt  }
0x7c: {  	_ =	shalt  }
0x7d: {  	_ =	shalt  }
0x7e: {  	_ =	shalt  }
0x7f: {  	_ =	shalt  }
0x80: {  	_ =	shalt  }
0x81: {  	_ =	shalt  }
0x82: {  	_ =	shalt  }
0x83: {  	_ =	shalt  }
0x84: {  	_ =	shalt  }
0x85: {  	_ =	shalt  }
0x86: {  	_ =	shalt  }
0x87: {  	_ =	shalt  }
.Lfunc_end0:
.L_simem_size_0:
called_computation_lowered:
.L_overlay_start_0:
0x88: {  	s2 =	sld [smem:$0x3FD9]  }
0x89: {  	s3 =	sld [smem:$0x3FFE];
	_ =	sdelay $0x1  }
0x8a: {  	s1 =	srdreg.scid  }
0x8b: {  	s0 =	sand.u32 $0x1, s1  }
0x8c: {  	s18 =	sshll.u32 s0, $0xA;
	s2 =	sadd.s32 s3, s2  }
0x8d: {  	s2 =	sadd.s32 s2, s18  }
0x8e: {  	[smem:$0x3FC7] =	sst s2  }
0x8f: {  	_ = 	snop  }
0x90: {  	s2 =	sld [smem:$0x3FC9]  }
0x91: {  	s19 =	sld [smem:$0x3FD0];
	(tm) =	ssettm $0x1  }
0x92: {  	s4 =	sld [smem:$0x3FFB];
	_ =	sdelay $0x3  }
0x93: {  	_ =	strace s4  }
0x94: {  	s4 =	sld [smem:$0x3FFC];
	_ =	sdelay $0x3  }
0x95: {  	_ =	strace s4  }
0x96: {  	s4 =	sld [smem:$0x3FFD];
	_ =	sdelay $0x3  }
0x97: {  	_ =	strace s4  }
0x98: {  	_ =	strace $0x8FFFFFFF  }
0x99: {  	s20 =	sld [smem:$0x3FDB];
	_ =	sdelay $0x1  }
0x9a: {  	s5 =	simm.s32 $_scs_section_size  }
0x9b: {  	s6 =	simm.s32 $_size__tile_overlayer_lowered;
	s7 =	simm.s32 $_tile_overlayer_lowered  }
0x9c: {  	s23 =	simm.s32 $0x1BFF;
	s22 =	sshll.u32 s7, $0x1;
	s4 =	sadd.s32 s5, s20  }
0x9d: {  	s8 =	simm.s32 $0x0;
	s21 =	sshll.u32 s6, $0x1;
	s6 =	sadd.s32 s22, s4  }
0x9e: {  	[timem:s8], [sflag:s23] =	dma.local [hbm:s6], s21  }
0x9f: {  	_ =	swait.ge [sflag:s23], s21  }
0xa0: {  	s5 =	ssub.s32 $0x0, s21;
	[sflag:s23] =	ssyncset.done $0x0  }
0xa1: {  	[sflag:s23] =	ssyncadd.s32 s5;
	_ =	sdelay $0x1  }
0xa2: {  	s24 =	simm.s32 $0x1B8B  }
0xa3: {  	_ =	swait.ge [sflag:s24], $0x1  }
0xa4: {  	[sflag:s24] =	ssyncset.done $0x0  }
0xa5: {  	s25 =	simm.s32 $0x1B8E;
	[sflag:s24] =	ssyncadd.s32 $0xFFFFFFFF  }
0xa6: {  	s26 =	simm.s32 $execute0_lowered;
	[smem:$0x3FD2] =	sst s25  }
0xa7: {  	s5 =	sshll.u32 s26, $0x1;
	_ =	strace $0x80000046;
	[dreg:$0x1] =	wrdreg $0xFFFFFFFF  }
0xa8: {  	s28 =	simm.s32 $_size_execute0_lowered;
	s4 =	sadd.s32 s4, s5;
	[dreg:$0x0] =	wrdreg $0x0  }
0xa9: {  	s5 =	sshll.u32 s28, $0x1;
	[dreg:$0x2] =	wrdreg s4  }
0xaa: {  	[dreg:$0x3] =	wrdreg s5  }
0xab: {  	[dreg:$0x4] =	wrdreg $0xC0  }
0xac: {  	_ =	task [dreg:s8], $0x5FFFF  }
0xad: {  	[dreg:$0x1] =	wrdreg $0xFFFFFFFF  }
0xae: {  	[dreg:$0x0] =	wrdreg $0x60  }
0xaf: {  	[dreg:$0x2] =	wrdreg s2  }
0xb0: {  	[dreg:$0x3] =	wrdreg s19  }
0xb1: {  	[dreg:$0x4] =	wrdreg $0x9  }
0xb2: {  	_ =	task.clear_ibuf [dreg:s8], $0x5FFFF;
	_ =	strace $0x90000046  }
0xb3: {  	s29 =	simm.s32 $0x9;
	_ =	strace $0x80000048  }
0xb4: {  	_ =	swait.ge [sflag:s29], $0x1  }
0xb5: {  	[sflag:s29] =	ssyncadd.s32 $0xFFFFFFFF  }
0xb6: {  	_ =	strace $0x90000048  }
0xb7: {  	_ =	sfence  }
0xb8: {  	s30 =	sld [smem:$0x0];
	_ =	sdelay $0x2  }
0xb9: {  	s31 =	sshll.u32 s1, $0xD;
	s1 =	sshrl.u32 s1, $0x2  }
0xba: {  	s3 =	sand.u32 $0x4000, s31;
	s1 =	sadd.s32 s1, s30  }
0xbb: {  	s0 =	sor.u32 s3, s0;
	s1 =	sshll.u32 s1, $0x11  }
0xbc: {  	s0 =	sor.u32 s1, s0  }
0xbd: {  	s0 =	sadd.s32 $0x8F2B, s0  }
0xbe: {  	[sflag:s0] =	ssyncadd.remote.s32 $0x1  }
0xbf: {  	_ =	sfence.sel $0xFFFF  }
0xc0: {  	[dreg:$0x0] =	wrdreg $0xFFFFFFFF;
	(pc) =	sbr.abs _section_cstart, $3  }
0xc1: {  	[dreg:$0x1] =	wrdreg $0xFFFFFFFF  }
0xc2: {  	_ =	task.clear_ibuf [dreg:s8], $0x2FFFF;
	_ =	strace $0x9FFFFFFF  }
0xc3: {  	(tm) =	ssettm $0x7FFFFFFF  }
tec
execute0_lowered:
.L_overlay_start_1:
0x0: {  	(tag) =	ssettag $0x1  }
0x1: {  	s0 =	srdreg.scid;
	s4 =	rddreg [dreg:$0x0]  }
0x2: {  	s5 =	rddreg [dreg:$0x1];
	s3 =	sand.u32 $0x1, s0  }
0x3: {  	s2 =	simm.s32 $0x0;
	s0 =	stileid.u32;
	s1 =	sshll.u32 s3, $0x4  }
0x4: {  	[smem:$0x7FF] =	sst s2;
	s8 =	sshll.u32 s0, $0x7;
	s6 =	sor.u32 s0, s1  }
0x5: {  	s3 =	ssub.s32 $0x2, s3;
	s7 =	sshrl.u32 s6, $0x3;
	s6 =	smul.u32 $0x500, s6  }
0x6: {  	s1 =	rddreg [dreg:$0x2];
	s9 =	sshrl.u32 s3, $0x1;
	s7 =	smul.u32 $0x14000, s7  }
0x7: {  	s8 =	sand.u32 $0x380, s8;
	_ =	strace $0x80000047;
	s30 =	ssub.s32 s3, s9  }
0x8: {  	s9 =	simm.s32 $0x400;
	s3 =	sadd.s32 s4, s6;
	s7 =	sor.u32 s8, s7  }
0x9: {  	s6 =	simm.s32 $0x1;
	s8 =	simm.s32 $0x80;
	s31 =	sshrl.u32 s7, $0x3  }
0xa: {  	v0 =	vimm.f32 $0.0e+00;
	v1 =	vimm.f32 $1.000000000e+00;
	s7 =	simm.s32 $0x2800;
	s4 =	sadd.s32 s5, s31;
	s5 =	smax.u32 s30, $0x1  }
.LBB2_1:
0xb: {  	s10 =	simm.s32 $0x40;
	s11 =	simm.s32 $0x0  }
.LBB2_2:
0xc: {  	p0 =	sne.s32 s10, $0x9FC0;
	[tilespmem:s11+$0x2800] =	vst v0;
	s11 =	smov.u32 s10;
	s10 =	sadd.s32 $0x40, s10  }
.Ltmp0:
0xd: {  	(pc) =	sbr.rel @p0 .LBB2_2-.Ltmp0, $2  }
0xe: {  	_ =	sdelay $0x2  }
0xf: {  	s11 =	sshra.s32 s11, $0x2  }
0x10: {  	[tilespmem:s11+$0x2800] =	vst v0;
	s10 =	simm.s32 $0x0  }
0x11: {  	[tilespmem:s10], [sflag:$0x1] =	stream.linear.gather [hbm4b:s3+s10], $0x2800, $0x38;
	[tilespmem:$0x5000] =	vst v63  }
0x12: {  	_ =	swait.ge [sflag:s6], $0x2800  }
0x13: {  	[sflag:s6] =	ssyncset.done $0x0  }
0x14: {  	[sflag:s6] =	ssyncadd.s32 $0xFFFFD800  }
.LBB2_4:
0x15: {  	s11 =	sshra.s32 s10, $0x2  }
0x16: {  	v2 =	vld [tilespmem:s11+$0x0];
	_ =	sdelay $0x4  }
0x17: {  	v2 =	vshrl.u32 v2, $0xE;
	_ =	sdelay $0x4  }
0x18: {  	[tilespmem:v2+s7+$0x0] =	vst.idx.add.f32.msk $0xffff, v1  }
0x19: {  	v2 =	vld [tilespmem:s11+$0x10];
	_ =	sdelay $0x4  }
0x1a: {  	v2 =	vshrl.u32 v2, $0xE;
	_ =	sdelay $0x4  }
0x1b: {  	[tilespmem:v2+s7+$0x0] =	vst.idx.add.f32.msk $0xffff, v1  }
0x1c: {  	v2 =	vld [tilespmem:s11+$0x20];
	_ =	sdelay $0x4  }
0x1d: {  	v2 =	vshrl.u32 v2, $0xE;
	_ =	sdelay $0x4  }
0x1e: {  	[tilespmem:v2+s7+$0x0] =	vst.idx.add.f32.msk $0xffff, v1  }
0x1f: {  	v2 =	vld [tilespmem:s11+$0x30];
	_ =	sdelay $0x4  }
0x20: {  	v2 =	vshrl.u32 v2, $0xE;
	_ =	sdelay $0x4  }
0x21: {  	[tilespmem:v2+s7+$0x0] =	vst.idx.add.f32.msk $0xffff, v1  }
0x22: {  	v2 =	vld [tilespmem:s11+$0x40];
	_ =	sdelay $0x4  }
0x23: {  	v2 =	vshrl.u32 v2, $0xE;
	_ =	sdelay $0x4  }
0x24: {  	[tilespmem:v2+s7+$0x0] =	vst.idx.add.f32.msk $0xffff, v1  }
0x25: {  	v2 =	vld [tilespmem:s11+$0x50];
	_ =	sdelay $0x4  }
0x26: {  	v2 =	vshrl.u32 v2, $0xE;
	_ =	sdelay $0x4  }
0x27: {  	[tilespmem:v2+s7+$0x0] =	vst.idx.add.f32.msk $0xffff, v1  }
0x28: {  	v2 =	vld [tilespmem:s11+$0x60];
	_ =	sdelay $0x4  }
0x29: {  	v2 =	vshrl.u32 v2, $0xE;
	_ =	sdelay $0x4  }
0x2a: {  	[tilespmem:v2+s7+$0x0] =	vst.idx.add.f32.msk $0xffff, v1  }
0x2b: {  	v2 =	vld [tilespmem:s11+$0x70];
	_ =	sdelay $0x4  }
0x2c: {  	p0 =	sne.s32 s10, $0x9E00;
	v2 =	vshrl.u32 v2, $0xE  }
.Ltmp1:
0x2d: {  	_ = 	snop;
	(pc) =	sbr.rel @p0 .LBB2_4-.Ltmp1, $2  }
0x2e: {  	_ =	sdelay $0x2  }
0x2f: {  	s10 =	sadd.s32 $0x200, s10;
	[tilespmem:v2+s7+$0x0] =	vst.idx.add.f32.msk $0xffff, v1  }
0x30: {  	s2 =	sadd.s32 $0x1, s2  }
0x31: {  	p0 =	sne.s32 s2, s5  }
.Ltmp2:
0x32: {  	_ = 	snop;
	(pc) =	sbr.rel @p0 .LBB2_1-.Ltmp2, $4  }
0x33: {  	[hbm4b:s4+s8] =	stream.strided.scatter [tilespmem:s7], [sflag:$0x1], $0x2800, s9, s8, $0x38;
	[tilespmem:$0x5000] =	vst v63  }
0x34: {  	_ =	swait.ge [sflag:s6], $0x2800  }
0x35: {  	[sflag:s6] =	ssyncset.done $0x0  }
0x36: {  	[sflag:s6] =	ssyncadd.s32 $0xFFFFD800  }
0x37: {  	_ =	sfence.sel $0x180000  }
0x38: {  	[bflag:$0x0] =	sbarrier.arrive $0xFFFF  }
0x39: {  	p0 =	sne.s32 s0, $0x0;
	_ =	strace $0x90000047  }
0x3a: {  	s0 =	sadd.s32 @!p0 $0x100000, s1;
	[bflag:$0x2] =	sbarrier.arrive $0xFFFF  }
0x3b: {  	[sflag:s0] =	ssyncadd.tile.s32 @!p0 $0x1;
	_ =	shalt  }
.Lfunc_end2:
_tile_overlayer_lowered:
.L_overlay_start_2:
0x3c: {  	(tag) =	ssettag $0x2  }
0x3d: {  	s0 =	rddreg [dreg:$0x0];
	s2 =	stileid.u32  }
0x3e: {  	s1 =	rddreg [dreg:$0x1];
	p0 =	sne.s32 s2, $0x0  }
0x3f: {  	s3 =	rddreg [dreg:$0x2];
	[bflag:$0x3] =	sbarrier.arrive $0xFFFF;
	s2 =	simm.s32 @!p0 $0x1C01  }
0x40: {  	[timem:s3], [sflag:s2] =	dma.local @!p0 [hbm:s0], s1  }
0x41: {  	s0 =	simm.s32 @!p0 $0x1  }
0x42: {  	_ =	swait.ge @!p0 [sflag:s0], s1  }
0x43: {  	s1 =	ssub.s32 @!p0 $0x0, s1;
	[sflag:s0] =	ssyncset.done @!p0 $0x0  }
0x44: {  	[sflag:s0] =	ssyncadd.s32 @!p0 s1  }
0x45: {  	[bflag:$0x3] =	sbarrier.arrive $0xFFFF  }
0x46: {  	_ =	shalt  }

</sc_bundles>
